<compile_context>
chip_gen: v7x
topology: tpu7x:2x2x1
jax: 0.10.2.dev20260603
libtpu: 0.0.44.dev20260713+nightly
codegen_flags: <defaults>
</compile_context>

<pallas_src>
import functools

import jax
import jax.numpy as jnp
from jax import lax
from jax.experimental import pallas as pl
from jax.experimental.pallas import tpu as pltpu
from jax.experimental.pallas import tpu_sc as plsc

NC = 2
NS = 16
NW = NC * NS


def _linear_body(x_ref, wt_ref, b_ref, o_ref):
    o_ref[...] = (
        jnp.dot(x_ref[...], wt_ref[...], preferred_element_type=jnp.float32)
        + b_ref[...]
    )


def _combine_body(p_ref, norm_ref, o_ref):
    n = o_ref.shape[0]
    o_ref[...] = norm_ref[...] * (p_ref[0, :n] + p_ref[1, :n])


@functools.lru_cache(maxsize=None)
def _make_agg(N, D, E):
    C = 80
    NCH0 = 156
    NCH1 = (E // (NS * C)) - NCH0
    NP = ((N + 8 * NS - 1) // (8 * NS)) * (8 * NS)
    ROWS = NP // NS
    assert (NCH0 + NCH1) * NS * C == E and NCH1 > 0

    mesh = plsc.VectorSubcoreMesh(
        core_axis_name="c", subcore_axis_name="s", num_cores=NC, num_subcores=NS
    )

    @functools.partial(
        pl.kernel,
        out_type=jax.ShapeDtypeStruct((NC, NP, D), jnp.float32),
        mesh=mesh,
        scratch_types=[
            pltpu.VMEM((C,), jnp.int32),
            pltpu.VMEM((C,), jnp.int32),
            pltpu.VMEM((C, D), jnp.float32),
            pltpu.VMEM_SHARED((NP, D), jnp.float32),
            pltpu.SemaphoreType.DMA,
        ],
    )
    def agg(h_hbm, src_hbm, dst_hbm, zeros_hbm, out_hbm,
            src_v, dst_v, rows_v, acc_sh, sem):
        cid = lax.axis_index("c")
        sid = lax.axis_index("s")
        pltpu.sync_copy(zeros_hbm, acc_sh.at[pl.ds(sid * ROWS, ROWS)])
        plsc.subcore_barrier()

        base = jnp.where(
            cid == 0, sid * (NCH0 * C), NS * (NCH0 * C) + sid * (NCH1 * C))
        n_chunks = jnp.where(cid == 0, NCH0, NCH1)

        def body(i, carry):
            off = base + i * C
            pltpu.sync_copy(src_hbm.at[pl.ds(off, C)], src_v)
            pltpu.sync_copy(dst_hbm.at[pl.ds(off, C)], dst_v)
            pltpu.async_copy(h_hbm.at[src_v], rows_v, sem).wait()
            pltpu.sync_copy(rows_v, acc_sh.at[dst_v], add=True)
            return carry

        lax.fori_loop(0, n_chunks, body, 0)
        plsc.subcore_barrier()
        pltpu.sync_copy(
            acc_sh.at[pl.ds(sid * ROWS, ROWS)],
            out_hbm.at[cid, pl.ds(sid * ROWS, ROWS)],
        )

    return agg


def kernel(x, edge_index, norm, W, b):
    N, D_in = x.shape
    D_out = W.shape[0]
    E = edge_index.shape[1]

    h = pl.pallas_call(
        _linear_body,
        out_shape=jax.ShapeDtypeStruct((N, D_out), jnp.float32),
    )(x, W.T, b.reshape(1, D_out))

    src = edge_index[0]
    dst = edge_index[1]
    NP = ((N + 8 * NS - 1) // (8 * NS)) * (8 * NS)
    zeros = jnp.zeros((NP // NS, D_out), dtype=jnp.float32)
    partials = _make_agg(N, D_out, E)(h, src, dst, zeros)

    out = pl.pallas_call(
        _combine_body,
        out_shape=jax.ShapeDtypeStruct((N, D_out), jnp.float32),
    )(partials, norm)
    return out

# --- scband reference (transcript-rebuilt; emitter-appended) ---
"""Pipeline reference for scband-gcnlayer-55817394978939 (READ-ONLY COPY).

The authoritative reference and input builder live on the scoring server;
editing this copy changes nothing except your own understanding.
"""

import jax, jax.numpy as jnp
import numpy as np

N = 10000
E = 320000
D_IN = 128
D_OUT = 128


def setup_inputs(seed: int = 0) -> dict:
    key = jax.random.key(seed)
    k1, k2, k3, k4, k5 = jax.random.split(key, 5)
    x = jax.random.normal(k1, (N, D_IN), dtype=jnp.float32)
    edge_index = jax.random.randint(k2, (2, E), 0, N, dtype=jnp.int32)
    norm = jax.random.uniform(k3, (N, 1), dtype=jnp.float32)
    # nn.Linear(in_features, out_features): W [out, in], b [out]
    W = jax.random.normal(k4, (D_OUT, D_IN), dtype=jnp.float32) * 0.05
    b = jax.random.normal(k5, (D_OUT,), dtype=jnp.float32) * 0.05
    return {"x": x, "edge_index": edge_index, "norm": norm, "W": W, "b": b}


def reference(x, edge_index, norm, W, b):
    # h = self.fc(x)
    h = x @ W.T + b
    # copy_u: message m[e] = h[src[e]]
    src = edge_index[0]
    dst = edge_index[1]
    m = jnp.take(h, src, axis=0)
    # aggregate_sum into dst nodes
    v = jax.ops.segment_sum(m, dst, num_segments=N)
    # torch.multiply(norm, h) with norm [N,1] broadcasting
    return norm * v

if __name__ == "__main__":
    import jax
    _d = setup_inputs()
    print(jax.jit(kernel)(*tuple(_d.values())))

</pallas_src>

<mosaic_0001>
#map = affine_map<(d0, d1) -> (0, 0)>
#map1 = affine_map<(d0, d1) -> (0)>
#map2 = affine_map<(d0, d1) -> (0, 0, 0)>
module attributes {stable_mosaic.version = 14 : i64} {
  func.func @agg(%arg0: i32, %arg1: i32, %arg2: memref<10000x128xf32, #tpu.memory_space<hbm>>, %arg3: memref<320000xi32, #tpu.memory_space<hbm>>, %arg4: memref<320000xi32, #tpu.memory_space<hbm>>, %arg5: memref<632x128xf32, #tpu.memory_space<hbm>>, %arg6: memref<2x10112x128xf32, #tpu.memory_space<hbm>>, %arg7: memref<80xi32, #tpu.memory_space<vmem>>, %arg8: memref<80xi32, #tpu.memory_space<vmem>>, %arg9: memref<80x128xf32, #tpu.memory_space<vmem>>, %arg10: memref<10112x128xf32, #tpu.memory_space<vmem_shared>>, %arg11: memref<!tpu.dma_semaphore, #tpu.memory_space<semaphore_mem>>) attributes {dimension_semantics = [#tpu.dimension_semantics<core_parallel>, #tpu.dimension_semantics<subcore_parallel>], iteration_bounds = array<i64: 2, 16>, scalar_prefetch = 0 : i64, scratch_operands = 5 : i64, tpu.core_type = #tpu.core_type<sc_vector_subcore>, window_params = [{transform_indices = #map}, {transform_indices = #map1}, {transform_indices = #map1}, {transform_indices = #map}, {transform_indices = #map2}]} {
    %mul3A = arith.constant 632 : i32
    %mul3A_0 = arith.muli %arg1, %mul3A : i32
    "tpu.region"() ({
      %run_scoped3A = tpu.sem_alloc : memref<!tpu.dma_semaphore, #tpu.memory_space<semaphore_mem>>
      %dma_start3A = arith.constant 0 : i32
      %dma_start3A_25 = tpu.memref_slice %arg10[%mul3A_0, %dma_start3A] : memref<10112x128xf32, #tpu.memory_space<vmem_shared>> -> memref<632x128xf32, #tpu.memory_space<vmem_shared>>
      tpu.enqueue_dma source(%arg5 : memref<632x128xf32, #tpu.memory_space<hbm>>) target(%dma_start3A_25 : memref<632x128xf32, #tpu.memory_space<vmem_shared>>) target_semaphore(%run_scoped3A : memref<!tpu.dma_semaphore, #tpu.memory_space<semaphore_mem>>)
      %dma_wait3A = arith.constant 0 : i32
      %dma_wait3A_26 = tpu.memref_slice %arg10[%mul3A_0, %dma_wait3A] : memref<10112x128xf32, #tpu.memory_space<vmem_shared>> -> memref<632x128xf32, #tpu.memory_space<vmem_shared>>
      tpu.wait_dma2 semaphore(%run_scoped3A : memref<!tpu.dma_semaphore, #tpu.memory_space<semaphore_mem>>) src(%arg5 : memref<632x128xf32, #tpu.memory_space<hbm>>) dst(%dma_wait3A_26 : memref<632x128xf32, #tpu.memory_space<vmem_shared>>)
      tpu.yield
    }) : () -> ()
    %barrier3A = arith.constant 0 : index
    tpu.barrier barrier_id(%barrier3A)
    %eq3A = arith.constant 0 : i32
    %eq3A_1 = arith.cmpi eq, %arg0, %eq3A : i32
    %mul3A_2 = arith.constant 12480 : i32
    %mul3A_3 = arith.muli %arg1, %mul3A_2 : i32
    %mul3A_4 = arith.constant 7520 : i32
    %mul3A_5 = arith.muli %arg1, %mul3A_4 : i32
    %add3A = arith.constant 199680 : i32
    %add3A_6 = arith.addi %add3A, %mul3A_5 : i32
    %select_n3A = arith.select %eq3A_1, %mul3A_3, %add3A_6 : i32
    %eq3A_7 = arith.constant 0 : i32
    %eq3A_8 = arith.cmpi eq, %arg0, %eq3A_7 : i32
    %jit3A = arith.constant 156 : i32
    %jit3A_9 = arith.constant 94 : i32
    %select_n3A_10 = arith.select %eq3A_8, %jit3A, %jit3A_9 : i32
    %while3A = arith.constant 0 : i32
    %while3A_11 = arith.constant 0 : i32
    %while3A_12 = arith.subi %select_n3A_10, %while3A_11 : i32
    %while3A_13 = arith.addi %while3A_11, %while3A_12 : i32
    %while3A_14 = arith.constant 1 : i32
    %while3A_15 = arith.divsi %while3A_12, %while3A_14 : i32
    %while3A_16 = arith.muli %while3A_15, %while3A_14 : i32
    %while3A_17 = arith.addi %while3A_11, %while3A_16 : i32
    %while3A_18 = arith.constant 1 : i32
    scf.for %while3A_25 = %while3A_11 to %while3A_17 step %while3A_18  : i32 {
      %mul3A_26 = arith.constant 80 : i32
      %mul3A_27 = arith.muli %while3A_25, %mul3A_26 : i32
      %add3A_28 = arith.addi %select_n3A, %mul3A_27 : i32
      "tpu.region"() ({
        %run_scoped3A = tpu.sem_alloc : memref<!tpu.dma_semaphore, #tpu.memory_space<semaphore_mem>>
        %dma_start3A_33 = tpu.memref_slice %arg3[%add3A_28] : memref<320000xi32, #tpu.memory_space<hbm>> -> memref<80xi32, #tpu.memory_space<hbm>>
        %dma_start3A_34 = tpu.memref_slice %arg3[%add3A_28] : memref<320000xi32, #tpu.memory_space<hbm>> -> memref<80xi32, #tpu.memory_space<hbm>>
        tpu.enqueue_dma source(%dma_start3A_34 : memref<80xi32, #tpu.memory_space<hbm>>) target(%arg7 : memref<80xi32, #tpu.memory_space<vmem>>) target_semaphore(%run_scoped3A : memref<!tpu.dma_semaphore, #tpu.memory_space<semaphore_mem>>)
        %dma_wait3A_35 = tpu.memref_slice %arg3[%add3A_28] : memref<320000xi32, #tpu.memory_space<hbm>> -> memref<80xi32, #tpu.memory_space<hbm>>
        %dma_wait3A_36 = tpu.memref_slice %arg3[%add3A_28] : memref<320000xi32, #tpu.memory_space<hbm>> -> memref<80xi32, #tpu.memory_space<hbm>>
        tpu.wait_dma2 semaphore(%run_scoped3A : memref<!tpu.dma_semaphore, #tpu.memory_space<semaphore_mem>>) src(%dma_wait3A_36 : memref<80xi32, #tpu.memory_space<hbm>>) dst(%arg7 : memref<80xi32, #tpu.memory_space<vmem>>)
        tpu.yield
      }) : () -> ()
      "tpu.region"() ({
        %run_scoped3A = tpu.sem_alloc : memref<!tpu.dma_semaphore, #tpu.memory_space<semaphore_mem>>
        %dma_start3A_33 = tpu.memref_slice %arg4[%add3A_28] : memref<320000xi32, #tpu.memory_space<hbm>> -> memref<80xi32, #tpu.memory_space<hbm>>
        %dma_start3A_34 = tpu.memref_slice %arg4[%add3A_28] : memref<320000xi32, #tpu.memory_space<hbm>> -> memref<80xi32, #tpu.memory_space<hbm>>
        tpu.enqueue_dma source(%dma_start3A_34 : memref<80xi32, #tpu.memory_space<hbm>>) target(%arg8 : memref<80xi32, #tpu.memory_space<vmem>>) target_semaphore(%run_scoped3A : memref<!tpu.dma_semaphore, #tpu.memory_space<semaphore_mem>>)
        %dma_wait3A_35 = tpu.memref_slice %arg4[%add3A_28] : memref<320000xi32, #tpu.memory_space<hbm>> -> memref<80xi32, #tpu.memory_space<hbm>>
        %dma_wait3A_36 = tpu.memref_slice %arg4[%add3A_28] : memref<320000xi32, #tpu.memory_space<hbm>> -> memref<80xi32, #tpu.memory_space<hbm>>
        tpu.wait_dma2 semaphore(%run_scoped3A : memref<!tpu.dma_semaphore, #tpu.memory_space<semaphore_mem>>) src(%dma_wait3A_36 : memref<80xi32, #tpu.memory_space<hbm>>) dst(%arg8 : memref<80xi32, #tpu.memory_space<vmem>>)
        tpu.yield
      }) : () -> ()
      %dma_start3A = arith.constant 0 : i32
      %dma_start3A_29 = arith.constant 0 : i32
      %dma_start3A_30 = tpu.memref_slice %arg2[%dma_start3A, %dma_start3A_29] : memref<10000x128xf32, #tpu.memory_space<hbm>> -> memref<10000x128xf32, #tpu.memory_space<hbm>>
      tpu.enqueue_indirect_dma source(%dma_start3A_30 : memref<10000x128xf32, #tpu.memory_space<hbm>>) target(%arg9 : memref<80x128xf32, #tpu.memory_space<vmem>>) offsets(%arg7 : memref<80xi32, #tpu.memory_space<vmem>>) semaphore(%arg11 : memref<!tpu.dma_semaphore, #tpu.memory_space<semaphore_mem>>)
      %dma_wait3A = arith.constant 0 : i32
      %dma_wait3A_31 = arith.constant 0 : i32
      %dma_wait3A_32 = tpu.memref_slice %arg2[%dma_wait3A, %dma_wait3A_31] : memref<10000x128xf32, #tpu.memory_space<hbm>> -> memref<10000x128xf32, #tpu.memory_space<hbm>>
      tpu.wait_indirect_dma semaphore(%arg11 : memref<!tpu.dma_semaphore, #tpu.memory_space<semaphore_mem>>) src(%dma_wait3A_32 : memref<10000x128xf32, #tpu.memory_space<hbm>>) dst(%arg9 : memref<80x128xf32, #tpu.memory_space<vmem>>)
      "tpu.region"() ({
        %run_scoped3A = tpu.sem_alloc : memref<!tpu.dma_semaphore, #tpu.memory_space<semaphore_mem>>
        %dma_start3A_33 = arith.constant 0 : i32
        %dma_start3A_34 = arith.constant 0 : i32
        %dma_start3A_35 = tpu.memref_slice %arg10[%dma_start3A_33, %dma_start3A_34] : memref<10112x128xf32, #tpu.memory_space<vmem_shared>> -> memref<10112x128xf32, #tpu.memory_space<vmem_shared>>
        tpu.enqueue_indirect_dma source(%arg9 : memref<80x128xf32, #tpu.memory_space<vmem>>) target(%dma_start3A_35 : memref<10112x128xf32, #tpu.memory_space<vmem_shared>>) offsets(%arg8 : memref<80xi32, #tpu.memory_space<vmem>>) semaphore(%run_scoped3A : memref<!tpu.dma_semaphore, #tpu.memory_space<semaphore_mem>>) {add = true}
        %dma_wait3A_36 = arith.constant 0 : i32
        %dma_wait3A_37 = arith.constant 0 : i32
        %dma_wait3A_38 = tpu.memref_slice %arg10[%dma_wait3A_36, %dma_wait3A_37] : memref<10112x128xf32, #tpu.memory_space<vmem_shared>> -> memref<10112x128xf32, #tpu.memory_space<vmem_shared>>
        tpu.wait_indirect_dma semaphore(%run_scoped3A : memref<!tpu.dma_semaphore, #tpu.memory_space<semaphore_mem>>) src(%arg9 : memref<80x128xf32, #tpu.memory_space<vmem>>) dst(%dma_wait3A_38 : memref<10112x128xf32, #tpu.memory_space<vmem_shared>>)
        tpu.yield
      }) : () -> ()
    }
    %while3A_19 = arith.constant 1 : i32
    scf.for %while3A_25 = %while3A_17 to %while3A_13 step %while3A_19  : i32 {
      %mul3A_26 = arith.constant 80 : i32
      %mul3A_27 = arith.muli %while3A_25, %mul3A_26 : i32
      %add3A_28 = arith.addi %select_n3A, %mul3A_27 : i32
      "tpu.region"() ({
        %run_scoped3A = tpu.sem_alloc : memref<!tpu.dma_semaphore, #tpu.memory_space<semaphore_mem>>
        %dma_start3A_33 = tpu.memref_slice %arg3[%add3A_28] : memref<320000xi32, #tpu.memory_space<hbm>> -> memref<80xi32, #tpu.memory_space<hbm>>
        %dma_start3A_34 = tpu.memref_slice %arg3[%add3A_28] : memref<320000xi32, #tpu.memory_space<hbm>> -> memref<80xi32, #tpu.memory_space<hbm>>
        tpu.enqueue_dma source(%dma_start3A_34 : memref<80xi32, #tpu.memory_space<hbm>>) target(%arg7 : memref<80xi32, #tpu.memory_space<vmem>>) target_semaphore(%run_scoped3A : memref<!tpu.dma_semaphore, #tpu.memory_space<semaphore_mem>>)
        %dma_wait3A_35 = tpu.memref_slice %arg3[%add3A_28] : memref<320000xi32, #tpu.memory_space<hbm>> -> memref<80xi32, #tpu.memory_space<hbm>>
        %dma_wait3A_36 = tpu.memref_slice %arg3[%add3A_28] : memref<320000xi32, #tpu.memory_space<hbm>> -> memref<80xi32, #tpu.memory_space<hbm>>
        tpu.wait_dma2 semaphore(%run_scoped3A : memref<!tpu.dma_semaphore, #tpu.memory_space<semaphore_mem>>) src(%dma_wait3A_36 : memref<80xi32, #tpu.memory_space<hbm>>) dst(%arg7 : memref<80xi32, #tpu.memory_space<vmem>>)
        tpu.yield
      }) : () -> ()
      "tpu.region"() ({
        %run_scoped3A = tpu.sem_alloc : memref<!tpu.dma_semaphore, #tpu.memory_space<semaphore_mem>>
        %dma_start3A_33 = tpu.memref_slice %arg4[%add3A_28] : memref<320000xi32, #tpu.memory_space<hbm>> -> memref<80xi32, #tpu.memory_space<hbm>>
        %dma_start3A_34 = tpu.memref_slice %arg4[%add3A_28] : memref<320000xi32, #tpu.memory_space<hbm>> -> memref<80xi32, #tpu.memory_space<hbm>>
        tpu.enqueue_dma source(%dma_start3A_34 : memref<80xi32, #tpu.memory_space<hbm>>) target(%arg8 : memref<80xi32, #tpu.memory_space<vmem>>) target_semaphore(%run_scoped3A : memref<!tpu.dma_semaphore, #tpu.memory_space<semaphore_mem>>)
        %dma_wait3A_35 = tpu.memref_slice %arg4[%add3A_28] : memref<320000xi32, #tpu.memory_space<hbm>> -> memref<80xi32, #tpu.memory_space<hbm>>
        %dma_wait3A_36 = tpu.memref_slice %arg4[%add3A_28] : memref<320000xi32, #tpu.memory_space<hbm>> -> memref<80xi32, #tpu.memory_space<hbm>>
        tpu.wait_dma2 semaphore(%run_scoped3A : memref<!tpu.dma_semaphore, #tpu.memory_space<semaphore_mem>>) src(%dma_wait3A_36 : memref<80xi32, #tpu.memory_space<hbm>>) dst(%arg8 : memref<80xi32, #tpu.memory_space<vmem>>)
        tpu.yield
      }) : () -> ()
      %dma_start3A = arith.constant 0 : i32
      %dma_start3A_29 = arith.constant 0 : i32
      %dma_start3A_30 = tpu.memref_slice %arg2[%dma_start3A, %dma_start3A_29] : memref<10000x128xf32, #tpu.memory_space<hbm>> -> memref<10000x128xf32, #tpu.memory_space<hbm>>
      tpu.enqueue_indirect_dma source(%dma_start3A_30 : memref<10000x128xf32, #tpu.memory_space<hbm>>) target(%arg9 : memref<80x128xf32, #tpu.memory_space<vmem>>) offsets(%arg7 : memref<80xi32, #tpu.memory_space<vmem>>) semaphore(%arg11 : memref<!tpu.dma_semaphore, #tpu.memory_space<semaphore_mem>>)
      %dma_wait3A = arith.constant 0 : i32
      %dma_wait3A_31 = arith.constant 0 : i32
      %dma_wait3A_32 = tpu.memref_slice %arg2[%dma_wait3A, %dma_wait3A_31] : memref<10000x128xf32, #tpu.memory_space<hbm>> -> memref<10000x128xf32, #tpu.memory_space<hbm>>
      tpu.wait_indirect_dma semaphore(%arg11 : memref<!tpu.dma_semaphore, #tpu.memory_space<semaphore_mem>>) src(%dma_wait3A_32 : memref<10000x128xf32, #tpu.memory_space<hbm>>) dst(%arg9 : memref<80x128xf32, #tpu.memory_space<vmem>>)
      "tpu.region"() ({
        %run_scoped3A = tpu.sem_alloc : memref<!tpu.dma_semaphore, #tpu.memory_space<semaphore_mem>>
        %dma_start3A_33 = arith.constant 0 : i32
        %dma_start3A_34 = arith.constant 0 : i32
        %dma_start3A_35 = tpu.memref_slice %arg10[%dma_start3A_33, %dma_start3A_34] : memref<10112x128xf32, #tpu.memory_space<vmem_shared>> -> memref<10112x128xf32, #tpu.memory_space<vmem_shared>>
        tpu.enqueue_indirect_dma source(%arg9 : memref<80x128xf32, #tpu.memory_space<vmem>>) target(%dma_start3A_35 : memref<10112x128xf32, #tpu.memory_space<vmem_shared>>) offsets(%arg8 : memref<80xi32, #tpu.memory_space<vmem>>) semaphore(%run_scoped3A : memref<!tpu.dma_semaphore, #tpu.memory_space<semaphore_mem>>) {add = true}
        %dma_wait3A_36 = arith.constant 0 : i32
        %dma_wait3A_37 = arith.constant 0 : i32
        %dma_wait3A_38 = tpu.memref_slice %arg10[%dma_wait3A_36, %dma_wait3A_37] : memref<10112x128xf32, #tpu.memory_space<vmem_shared>> -> memref<10112x128xf32, #tpu.memory_space<vmem_shared>>
        tpu.wait_indirect_dma semaphore(%run_scoped3A : memref<!tpu.dma_semaphore, #tpu.memory_space<semaphore_mem>>) src(%arg9 : memref<80x128xf32, #tpu.memory_space<vmem>>) dst(%dma_wait3A_38 : memref<10112x128xf32, #tpu.memory_space<vmem_shared>>)
        tpu.yield
      }) : () -> ()
    }
    %barrier3A_20 = arith.constant 0 : index
    tpu.barrier barrier_id(%barrier3A_20)
    %mul3A_21 = arith.constant 632 : i32
    %mul3A_22 = arith.muli %arg1, %mul3A_21 : i32
    %mul3A_23 = arith.constant 632 : i32
    %mul3A_24 = arith.muli %arg1, %mul3A_23 : i32
    "tpu.region"() ({
      %run_scoped3A = tpu.sem_alloc : memref<!tpu.dma_semaphore, #tpu.memory_space<semaphore_mem>>
      %dma_start3A = arith.constant 0 : i32
      %dma_start3A_25 = tpu.memref_slice %arg6[%arg0, %mul3A_24, %dma_start3A] : memref<2x10112x128xf32, #tpu.memory_space<hbm>> -> memref<1x632x128xf32, #tpu.memory_space<hbm>>
      %dma_start3A_26 = tpu.memref_squeeze %dma_start3A_25 : memref<1x632x128xf32, #tpu.memory_space<hbm>> -> memref<632x128xf32, #tpu.memory_space<hbm>>
      %dma_start3A_27 = arith.constant 0 : i32
      %dma_start3A_28 = tpu.memref_slice %arg10[%mul3A_22, %dma_start3A_27] : memref<10112x128xf32, #tpu.memory_space<vmem_shared>> -> memref<632x128xf32, #tpu.memory_space<vmem_shared>>
      tpu.enqueue_dma source(%dma_start3A_28 : memref<632x128xf32, #tpu.memory_space<vmem_shared>>) target(%dma_start3A_26 : memref<632x128xf32, #tpu.memory_space<hbm>>) target_semaphore(%run_scoped3A : memref<!tpu.dma_semaphore, #tpu.memory_space<semaphore_mem>>)
      %dma_wait3A = arith.constant 0 : i32
      %dma_wait3A_29 = tpu.memref_slice %arg6[%arg0, %mul3A_24, %dma_wait3A] : memref<2x10112x128xf32, #tpu.memory_space<hbm>> -> memref<1x632x128xf32, #tpu.memory_space<hbm>>
      %dma_wait3A_30 = tpu.memref_squeeze %dma_wait3A_29 : memref<1x632x128xf32, #tpu.memory_space<hbm>> -> memref<632x128xf32, #tpu.memory_space<hbm>>
      %dma_wait3A_31 = arith.constant 0 : i32
      %dma_wait3A_32 = tpu.memref_slice %arg10[%mul3A_22, %dma_wait3A_31] : memref<10112x128xf32, #tpu.memory_space<vmem_shared>> -> memref<632x128xf32, #tpu.memory_space<vmem_shared>>
      tpu.wait_dma2 semaphore(%run_scoped3A : memref<!tpu.dma_semaphore, #tpu.memory_space<semaphore_mem>>) src(%dma_wait3A_32 : memref<632x128xf32, #tpu.memory_space<vmem_shared>>) dst(%dma_wait3A_30 : memref<632x128xf32, #tpu.memory_space<hbm>>)
      tpu.yield
    }) : () -> ()
    return
  }
}

module attributes {stable_mosaic.version = 14 : i64} {
  func.func @_combine_body(%arg0: memref<2x10112x128xf32, #tpu.memory_space<vmem>>, %arg1: memref<10000x1xf32, #tpu.memory_space<vmem>>, %arg2: memref<10000x128xf32, #tpu.memory_space<vmem>>) attributes {dimension_semantics = [], scalar_prefetch = 0 : i64, scratch_operands = 0 : i64, tpu.core_type = #tpu.core_type<tc>} {
    %get3A = arith.constant 0 : index
    %get3A_0 = arith.constant 0 : index
    %get3A_1 = vector.load %arg1[%get3A, %get3A_0] : memref<10000x1xf32, #tpu.memory_space<vmem>>, vector<10000x1xf32>
    %get3A_2 = arith.constant 0 : index
    %get3A_3 = arith.constant 0 : index
    %get3A_4 = arith.constant 0 : index
    %get3A_5 = vector.load %arg0[%get3A_2, %get3A_3, %get3A_4] : memref<2x10112x128xf32, #tpu.memory_space<vmem>>, vector<1x10000x128xf32>
    %get3A_6 = vector.shape_cast %get3A_5 : vector<1x10000x128xf32> to vector<10000x128xf32>
    %get3A_7 = arith.constant 1 : index
    %get3A_8 = arith.constant 0 : index
    %get3A_9 = arith.constant 0 : index
    %get3A_10 = vector.load %arg0[%get3A_7, %get3A_8, %get3A_9] : memref<2x10112x128xf32, #tpu.memory_space<vmem>>, vector<1x10000x128xf32>
    %get3A_11 = vector.shape_cast %get3A_10 : vector<1x10000x128xf32> to vector<10000x128xf32>
    %add3A = arith.addf %get3A_6, %get3A_11 : vector<10000x128xf32>
    %mul3A = vector.broadcast %get3A_1 : vector<10000x1xf32> to vector<10000x128xf32>
    %mul3A_12 = arith.mulf %mul3A, %add3A : vector<10000x128xf32>
    %swap3A = arith.constant 0 : index
    %swap3A_13 = arith.constant 0 : index
    %swap3A_14 = vector.load %arg2[%swap3A, %swap3A_13] : memref<10000x128xf32, #tpu.memory_space<vmem>>, vector<10000x128xf32>
    tpu.vector_store %arg2[%swap3A, %swap3A_13], %mul3A_12 {strides = array<i32>} : memref<10000x128xf32, #tpu.memory_space<vmem>>, vector<10000x128xf32>,
    return
  }
}

module attributes {stable_mosaic.version = 14 : i64} {
  func.func @_linear_body(%arg0: memref<10000x128xf32, #tpu.memory_space<vmem>>, %arg1: memref<128x128xf32, #tpu.memory_space<vmem>>, %arg2: memref<1x128xf32, #tpu.memory_space<vmem>>, %arg3: memref<10000x128xf32, #tpu.memory_space<vmem>>) attributes {dimension_semantics = [], scalar_prefetch = 0 : i64, scratch_operands = 0 : i64, tpu.core_type = #tpu.core_type<tc>} {
    %get3A = arith.constant 0 : index
    %get3A_0 = arith.constant 0 : index
    %get3A_1 = vector.load %arg0[%get3A, %get3A_0] : memref<10000x128xf32, #tpu.memory_space<vmem>>, vector<10000x128xf32>
    %get3A_2 = arith.constant 0 : index
    %get3A_3 = arith.constant 0 : index
    %get3A_4 = vector.load %arg1[%get3A_2, %get3A_3] : memref<128x128xf32, #tpu.memory_space<vmem>>, vector<128x128xf32>
    %dot_general3A = arith.constant dense<0.000000e+00> : vector<10000x128xf32>
    %dot_general3A_5 = tpu.matmul %get3A_1, %get3A_4, %dot_general3A {dimension_numbers = #tpu.dot_dimension_numbers<[1], [0], [0], [1], [0, 0, 1, 1], [], []>, transpose_lhs_hint = false} : vector<10000x128xf32>, vector<128x128xf32>, vector<10000x128xf32> -> vector<10000x128xf32>
    %get3A_6 = arith.constant 0 : index
    %get3A_7 = arith.constant 0 : index
    %get3A_8 = vector.load %arg2[%get3A_6, %get3A_7] : memref<1x128xf32, #tpu.memory_space<vmem>>, vector<1x128xf32>
    %add3A = vector.broadcast %get3A_8 : vector<1x128xf32> to vector<10000x128xf32>
    %add3A_9 = arith.addf %dot_general3A_5, %add3A : vector<10000x128xf32>
    %swap3A = arith.constant 0 : index
    %swap3A_10 = arith.constant 0 : index
    %swap3A_11 = vector.load %arg3[%swap3A, %swap3A_10] : memref<10000x128xf32, #tpu.memory_space<vmem>>, vector<10000x128xf32>
    tpu.vector_store %arg3[%swap3A, %swap3A_10], %add3A_9 {strides = array<i32>} : memref<10000x128xf32, #tpu.memory_space<vmem>>, vector<10000x128xf32>,
    return
  }
}

</mosaic_0001>

<sc_bundles>
// kernel: kernel.5.cloned.1.call-start
scs
__scs_entry_jumppad:
0x0: {  	(pc) =	sbr.rel $0x88, $3  }
0x1: {  	(tag) =	ssettag $0x0;
	lr =	simm.s32 $0x1  }
0x2: {  	[smem:$0x3F9C] =	sst lr;
	_ =	strace $0xD0000000  }
0x3: {  	_ = 	snop  }
0x4: {  	_ = 	snop  }
0x5: {  	_ = 	snop  }
0x6: {  	_ = 	snop  }
0x7: {  	_ = 	snop  }
__scs_overlays_trampoline_lowered:
0x8: {  	[smem:$0x3FAB] =	sst s0  }
0x9: {  	[smem:$0x3FAC] =	sst s1  }
0xa: {  	[smem:$0x3FAD] =	sst s2  }
0xb: {  	[smem:$0x3FAE] =	sst s3  }
0xc: {  	[smem:$0x3FAF] =	sst s4  }
0xd: {  	[smem:$0x3FB0] =	sst s5  }
0xe: {  	[smem:$0x3FB1] =	sst s6  }
0xf: {  	[smem:$0x3FB2] =	sst s7  }
0x10: {  	[smem:$0x3FB3] =	sst s8  }
0x11: {  	[smem:$0x3FB4] =	sst s9;
	s0 =	simm.s32 @!p0 $0x0  }
0x12: {  	s1 =	sld [smem:$0x3F9A];
	s0 =	simm.s32 @p0 $0x1  }
0x13: {  	[smem:$0x3FB5] =	sst s0;
	s0 =	simm.s32 @!p1 $0x0  }
0x14: {  	s2 =	sld [smem:$0x3F99];
	s0 =	simm.s32 @p1 $0x1  }
0x15: {  	[smem:$0x3FB6] =	sst s0;
	s0 =	simm.s32 @!p2 $0x0  }
0x16: {  	s3 =	sld [smem:$0x3FDB];
	s0 =	simm.s32 @p2 $0x1  }
0x17: {  	s4 =	simm.s32 $0x1BF5;
	[smem:$0x3FB8] =	sst s0  }
0x18: {  	s0 =	sld [smem:$0x3F9B];
	_ =	swait.ge [sflag:s4], $0x0  }
0x19: {  	s7 =	sld [smem:$0x3F9C]  }
0x1a: {  	s8 =	sadd.s32 $0xFFFFE003, lr  }
0x1b: {  	s9 =	sadd.s32 $0xFFFFFEF7, lr;
	s5 =	simm.s32 $0xFFFFFFFF;
	p2 =	slt.u32 s8, $0xFFFFF086  }
0x1c: {  	p1 =	slt.u32 s9, $0xF7A;
	s5 =	simm.s32 @!p2 $0x0  }
0x1d: {  	s5 =	simm.s32 @p1 $0x1;
	p0 =	seq.s32 s7, s2  }
0x1e: {  	s7 =	smul.u32 @!p0 $0xF7A, s2;
	p2 =	seq.s32 @!p0 s5, $0x0  }
0x1f: {  	s9 =	smul.u32 $0xF7A, s1;
	s8 =	simm.s32 @!p0 $0x1BF5;
	p2 =	por !p2, p0  }
0x20: {  	[sflag:s8] =	ssyncset.s32 @!p0 $0xFFFFF086;
	s6 =	sadd.s32 @!p0 s3, s7;
	s7 =	simm.s32 @!p0 $0x108  }
0x21: {  	s3 =	sadd.s32 s3, s9;
	s6 =	sadd.s32 @!p0 $0x88, s6;
	s7 =	simm.s32 @p2 $0x1082  }
0x22: {  	[simem:s7], [sflag:s8] =	dma.local @!p0 [hbm:s6], $0xF7A  }
0x23: {  	s9 =	sor.u32 $0xD0000000, s2;
	s6 =	simm.s32 $0x108;
	_ =	swait.ge @!p0 [sflag:s8], $0x0  }
0x24: {  	s3 =	sadd.s32 $0x88, s3;
	s6 =	simm.s32 @!p1 $0x1082;
	[sflag:s4] =	ssyncset.s32 $0xFFFFF086  }
0x25: {  	[simem:s6], [sflag:s4] =	dma.local [hbm:s3], $0xF7A  }
0x26: {  	[smem:$0x3F9C] =	sst s1;
	(tag) =	ssettag s2;
	_ =	strace s9  }
0x27: {  	s1 =	sld [smem:$0x3FAC]  }
0x28: {  	s2 =	sld [smem:$0x3FAD]  }
0x29: {  	s4 =	sld [smem:$0x3FAF]  }
0x2a: {  	p0 =	seq.s32 s5, $0x0;
	s5 =	sld [smem:$0x3FB0]  }
0x2b: {  	s6 =	sld [smem:$0x3FB1]  }
0x2c: {  	s7 =	sld [smem:$0x3FB2]  }
0x2d: {  	s3 =	simm.s32 $0x108;
	s8 =	sld [smem:$0x3FB3]  }
0x2e: {  	s3 =	simm.s32 @!p0 $0x1082;
	s9 =	sld [smem:$0x3FB4]  }
0x2f: {  	lr =	sadd.s32 s0, s3;
	s0 =	sld [smem:$0x3FAB]  }
0x30: {  	s3 =	sld [smem:$0x3FAE]  }
0x31: {  	[smem:$0x3FB7] =	sst s10  }
0x32: {  	s10 =	sld [smem:$0x3FB5];
	_ =	sdelay $0x3  }
0x33: {  	p0 =	seq.s32 s10, $0x1;
	s10 =	sld [smem:$0x3FB7];
	_ =	sdelay $0x3  }
0x34: {  	[smem:$0x3FB7] =	sst s10  }
0x35: {  	s10 =	sld [smem:$0x3FB6];
	_ =	sdelay $0x3  }
0x36: {  	p1 =	seq.s32 s10, $0x1;
	s10 =	sld [smem:$0x3FB7];
	_ =	sdelay $0x3  }
0x37: {  	[smem:$0x3FB7] =	sst s10  }
0x38: {  	s10 =	sld [smem:$0x3FB8]  }
0x39: {  	_ = 	snop;
	(pc) =	sbr.ind lr, $3  }
0x3a: {  	_ = 	snop  }
0x3b: {  	_ = 	snop  }
0x3c: {  	p2 =	seq.s32 s10, $0x1;
	s10 =	sld [smem:$0x3FB7]  }
0x3d: {  	_ =	shalt  }
0x3e: {  	_ =	shalt  }
0x3f: {  	_ =	shalt  }
0x40: {  	_ =	shalt  }
0x41: {  	_ =	shalt  }
0x42: {  	_ =	shalt  }
0x43: {  	_ =	shalt  }
0x44: {  	_ =	shalt  }
0x45: {  	_ =	shalt  }
0x46: {  	_ =	shalt  }
0x47: {  	_ =	shalt  }
0x48: {  	_ =	shalt  }
0x49: {  	_ =	shalt  }
0x4a: {  	_ =	shalt  }
0x4b: {  	_ =	shalt  }
0x4c: {  	_ =	shalt  }
0x4d: {  	_ =	shalt  }
0x4e: {  	_ =	shalt  }
0x4f: {  	_ =	shalt  }
0x50: {  	_ =	shalt  }
0x51: {  	_ =	shalt  }
0x52: {  	_ =	shalt  }
0x53: {  	_ =	shalt  }
0x54: {  	_ =	shalt  }
0x55: {  	_ =	shalt  }
0x56: {  	_ =	shalt  }
0x57: {  	_ =	shalt  }
0x58: {  	_ =	shalt  }
0x59: {  	_ =	shalt  }
0x5a: {  	_ =	shalt  }
0x5b: {  	_ =	shalt  }
0x5c: {  	_ =	shalt  }
0x5d: {  	_ =	shalt  }
0x5e: {  	_ =	shalt  }
0x5f: {  	_ =	shalt  }
0x60: {  	_ =	shalt  }
0x61: {  	_ =	shalt  }
0x62: {  	_ =	shalt  }
0x63: {  	_ =	shalt  }
0x64: {  	_ =	shalt  }
0x65: {  	_ =	shalt  }
0x66: {  	_ =	shalt  }
0x67: {  	_ =	shalt  }
0x68: {  	_ =	shalt  }
0x69: {  	_ =	shalt  }
0x6a: {  	_ =	shalt  }
0x6b: {  	_ =	shalt  }
0x6c: {  	_ =	shalt  }
0x6d: {  	_ =	shalt  }
0x6e: {  	_ =	shalt  }
0x6f: {  	_ =	shalt  }
0x70: {  	_ =	shalt  }
0x71: {  	_ =	shalt  }
0x72: {  	_ =	shalt  }
0x73: {  	_ =	shalt  }
0x74: {  	_ =	shalt  }
0x75: {  	_ =	shalt  }
0x76: {  	_ =	shalt  }
0x77: {  	_ =	shalt  }
0x78: {  	_ =	shalt  }
0x79: {  	_ =	shalt  }
0x7a: {  	_ =	shalt  }
0x7b: {  	_ =	shalt  }
0x7c: {  	_ =	shalt  }
0x7d: {  	_ =	shalt  }
0x7e: {  	_ =	shalt  }
0x7f: {  	_ =	shalt  }
0x80: {  	_ =	shalt  }
0x81: {  	_ =	shalt  }
0x82: {  	_ =	shalt  }
0x83: {  	_ =	shalt  }
0x84: {  	_ =	shalt  }
0x85: {  	_ =	shalt  }
0x86: {  	_ =	shalt  }
0x87: {  	_ =	shalt  }
.Lfunc_end0:
.L_simem_size_0:
called_computation_lowered:
.L_overlay_start_0:
0x88: {  	s2 =	sld [smem:$0x3FD9]  }
0x89: {  	s3 =	sld [smem:$0x3FFE];
	_ =	sdelay $0x1  }
0x8a: {  	s1 =	srdreg.scid  }
0x8b: {  	s0 =	sand.u32 $0x1, s1  }
0x8c: {  	s17 =	sshll.u32 s0, $0xA;
	s2 =	sadd.s32 s3, s2  }
0x8d: {  	s2 =	sadd.s32 s2, s17  }
0x8e: {  	[smem:$0x3FC3] =	sst s2  }
0x8f: {  	_ = 	snop  }
0x90: {  	s2 =	sld [smem:$0x3FD0];
	(tm) =	ssettm $0x1  }
0x91: {  	s18 =	sld [smem:$0x3FFB];
	_ =	sdelay $0x3  }
0x92: {  	_ =	strace s18  }
0x93: {  	s3 =	sld [smem:$0x3FFC];
	_ =	sdelay $0x3  }
0x94: {  	_ =	strace s3  }
0x95: {  	s3 =	sld [smem:$0x3FFD];
	_ =	sdelay $0x3  }
0x96: {  	_ =	strace s3  }
0x97: {  	_ =	strace $0x8FFFFFFF  }
0x98: {  	s19 =	sld [smem:$0x3FDB];
	_ =	sdelay $0x1  }
0x99: {  	s4 =	simm.s32 $_scs_section_size  }
0x9a: {  	s5 =	simm.s32 $_size__tile_overlayer_lowered;
	s6 =	simm.s32 $_tile_overlayer_lowered  }
0x9b: {  	s22 =	simm.s32 $0x1BFF;
	s21 =	sshll.u32 s6, $0x1;
	s3 =	sadd.s32 s4, s19  }
0x9c: {  	s7 =	simm.s32 $0x0;
	s20 =	sshll.u32 s5, $0x1;
	s5 =	sadd.s32 s21, s3  }
0x9d: {  	[timem:s7], [sflag:s22] =	dma.local [hbm:s5], s20  }
0x9e: {  	_ =	swait.ge [sflag:s22], s20  }
0x9f: {  	s4 =	ssub.s32 $0x0, s20;
	[sflag:s22] =	ssyncset.done $0x0  }
0xa0: {  	[sflag:s22] =	ssyncadd.s32 s4;
	_ =	sdelay $0x1  }
0xa1: {  	s23 =	simm.s32 $0x1B8B  }
0xa2: {  	_ =	swait.ge [sflag:s23], $0x1  }
0xa3: {  	[sflag:s23] =	ssyncset.done $0x0  }
0xa4: {  	s25 =	simm.s32 $0x1B8E;
	s24 =	sld [smem:$0x3FFE];
	[sflag:s23] =	ssyncadd.s32 $0xFFFFFFFF  }
0xa5: {  	s26 =	simm.s32 $execute0_lowered;
	[smem:$0x3FD2] =	sst s25  }
0xa6: {  	s5 =	sshll.u32 s26, $0x1;
	_ =	strace $0x80000046;
	[dreg:$0x1] =	wrdreg $0xFFFFFFFF  }
0xa7: {  	s28 =	simm.s32 $_size_execute0_lowered;
	s3 =	sadd.s32 s3, s5;
	[dreg:$0x0] =	wrdreg $0x0  }
0xa8: {  	s5 =	sshll.u32 s28, $0x1;
	[dreg:$0x2] =	wrdreg s3  }
0xa9: {  	[dreg:$0x3] =	wrdreg s5  }
0xaa: {  	[dreg:$0x4] =	wrdreg $0xC0  }
0xab: {  	_ =	task [dreg:s7], $0x5FFFF  }
0xac: {  	[dreg:$0x1] =	wrdreg $0xFFFFFFFF  }
0xad: {  	[dreg:$0x0] =	wrdreg $0x60  }
0xae: {  	[dreg:$0x2] =	wrdreg s2  }
0xaf: {  	[dreg:$0x3] =	wrdreg s24  }
0xb0: {  	[dreg:$0x4] =	wrdreg $0x29000  }
0xb1: {  	[dreg:$0x5] =	wrdreg $0x9  }
0xb2: {  	_ =	task.clear_ibuf [dreg:s7], $0x6FFFF;
	_ =	strace $0x90000046  }
0xb3: {  	s29 =	simm.s32 $0x9;
	_ =	strace $0x80000048  }
0xb4: {  	_ =	swait.ge [sflag:s29], $0x1  }
0xb5: {  	[sflag:s29] =	ssyncadd.s32 $0xFFFFFFFF  }
0xb6: {  	_ =	strace $0x90000048  }
0xb7: {  	_ =	sfence  }
0xb8: {  	s30 =	sld [smem:$0x0];
	_ =	sdelay $0x2  }
0xb9: {  	s31 =	sshll.u32 s1, $0xD;
	s1 =	sshrl.u32 s1, $0x2  }
0xba: {  	s3 =	sand.u32 $0x4000, s31;
	s1 =	sadd.s32 s1, s30  }
0xbb: {  	s0 =	sor.u32 s3, s0;
	s1 =	sshll.u32 s1, $0x11  }
0xbc: {  	s0 =	sor.u32 s1, s0  }
0xbd: {  	s0 =	sadd.s32 $0x8F2B, s0  }
0xbe: {  	[sflag:s0] =	ssyncadd.remote.s32 $0x1  }
0xbf: {  	_ =	sfence.sel $0xFFFF  }
0xc0: {  	[dreg:$0x0] =	wrdreg $0xFFFFFFFF;
	(pc) =	sbr.abs _section_cstart, $3  }
0xc1: {  	[dreg:$0x1] =	wrdreg $0xFFFFFFFF  }
0xc2: {  	_ =	task.clear_ibuf [dreg:s7], $0x2FFFF;
	_ =	strace $0x9FFFFFFF  }
0xc3: {  	(tm) =	ssettm $0x7FFFFFFF  }
tec
execute0_lowered:
.L_overlay_start_1:
0x0: {  	(tag) =	ssettag $0x1  }
0x1: {  	s2 =	rddreg [dreg:$0x0]  }
0x2: {  	s6 =	rddreg [dreg:$0x1]  }
0x3: {  	s3 =	rddreg [dreg:$0x2]  }
0x4: {  	s0 =	stileid.u32;
	s4 =	srdreg.scid  }
0x5: {  	s1 =	rddreg [dreg:$0x3];
	s13 =	simm.s32 $0x2;
	s14 =	simm.s32 $0x80  }
0x6: {  	s15 =	simm.s32 $0x50;
	s16 =	simm.s32 $0x100;
	s5 =	smul.u32 $0x1D60, s0  }
0x7: {  	s17 =	simm.s32 $0x1;
	s18 =	simm.s32 $0x0;
	s8 =	smul.u32 $0x30C0, s0  }
0x8: {  	s7 =	sand.u32 $0x1, s4;
	s4 =	simm.s32 $0x0;
	s25 =	smul.u32 $0x13C00, s0  }
0x9: {  	s28 =	smul.u32 $0x4F000, s0;
	s31 =	sshll.u32 s0, $0x6;
	p0 =	seq.s32 s7, $0x0  }
0xa: {  	s9 =	smul.u32 $0x13C000, s7;
	[smem:$0x7FF] =	sst s4;
	s7 =	ssub.s32 $0x2, s7  }
0xb: {  	s5 =	sadd.s32 $0x30C00, s5;
	_ =	strace $0x80000047;
	s29 =	sshrl.u32 s7, $0x1  }
0xc: {  	s30 =	sshrl.u32 s28, $0x2;
	s5 =	smov.u32 @p0 s8;
	s26 =	sadd.s32 s25, s9  }
0xd: {  	s10 =	ssub.s32 s7, s29;
	s12 =	sadd.s32 s30, s3;
	s7 =	simm.s32 $0x9C  }
0xe: {  	s5 =	sshrl.u32 s5, $0x3;
	s8 =	sshrl.u32 s26, $0x3;
	s7 =	simm.s32 @!p0 $0x5E  }
0xf: {  	s9 =	smax.u32 s10, $0x1;
	s12 =	sshrl.u32 s12, $0x3;
	s11 =	sadd.s32 s5, s6  }
0x10: {  	s5 =	sadd.s32 $0x14200, s6;
	s8 =	sadd.s32 s8, s6;
	s6 =	sor.u32 $0x1C02, s31  }
0x11: {  	s8 =	sadd.s32 $0x16A00, s8;
	s10 =	sadd.s32 $0x600, s11;
	s11 =	sadd.s32 $0xA400, s11  }
.LBB2_1:
0x12: {  	[spmem:s12], [sflag:s6] =	dma.local [hbm:s5], $0x2780  }
0x13: {  	_ =	swait.ge [sflag:s13], $0x2780  }
0x14: {  	[sflag:s13] =	ssyncset.done $0x0  }
0x15: {  	[sflag:s13] =	ssyncadd.s32 $0xFFFFD880  }
0x16: {  	[bflag:$0x0] =	sbarrier.arrive $0xFFFF  }
0x17: {  	[tilespmem:s4], [sflag:$0x2] =	stream.linear.gather [hbm4b:s11+s4], $0x50, $0x38;
	[tilespmem:$0x16500] =	vst v63  }
0x18: {  	_ =	swait.ge [sflag:s13], $0x50  }
0x19: {  	[sflag:s13] =	ssyncset.done $0x0  }
0x1a: {  	[sflag:s13] =	ssyncadd.s32 $0xFFFFFFB0  }
0x1b: {  	[tilespmem:s14], [sflag:$0x2] =	stream.linear.gather [hbm4b:s10+s4], $0x50, $0x38;
	[tilespmem:$0x16500] =	vst v63  }
0x1c: {  	_ =	swait.ge [sflag:s13], $0x50  }
0x1d: {  	[sflag:s13] =	ssyncset.done $0x0  }
0x1e: {  	[sflag:s13] =	ssyncadd.s32 $0xFFFFFFB0  }
0x1f: {  	[tilespmem:s16], [sflag:$0x1] =	stream.indirect.gather [hbm4b:s2+s15], $0x80, s4, s15, $0xb8;
	[tilespmem:$0x16500] =	vst v63  }
0x20: {  	p0 =	sne.s32 s7, $0x1;
	_ =	swait.ge [sflag:s17], $0x2800  }
.Ltmp0:
0x21: {  	[sflag:s17] =	ssyncset.done $0x0;
	(pc) =	sbr.rel @!p0 .LBB2_3-.Ltmp0, $4  }
0x22: {  	[sflag:s17] =	ssyncadd.s32 $0xFFFFD800  }
0x23: {  	[spmem:s3] =	stream.indirect.scatter.add.f32 [tilespmem:s16], [sflag:$0x2], $0x80, s14, s15, $0xb8;
	[tilespmem:$0x16500] =	vst v63  }
0x24: {  	s19 =	sadd.s32 $0xFFFFFFFF, s7;
	_ =	swait.ge [sflag:s13], $0x2800  }
0x25: {  	s20 =	smov.u32 s10;
	s21 =	smov.u32 s11;
	[sflag:s13] =	ssyncset.done $0x0  }
.LBB2_2:
0x26: {  	[sflag:s13] =	ssyncadd.s32 $0xFFFFD800;
	s20 =	sadd.s32 $0xA, s20;
	s21 =	sadd.s32 $0xA, s21  }
0x27: {  	[tilespmem:s4], [sflag:$0x2] =	stream.linear.gather [hbm4b:s21+s4], $0x50, $0x38;
	[tilespmem:$0x16500] =	vst v63  }
0x28: {  	p0 =	sne.s32 s19, $0x1;
	s19 =	sadd.s32 $0xFFFFFFFF, s19;
	_ =	swait.ge [sflag:s13], $0x50  }
0x29: {  	[sflag:s13] =	ssyncset.done $0x0  }
0x2a: {  	[sflag:s13] =	ssyncadd.s32 $0xFFFFFFB0  }
0x2b: {  	[tilespmem:s14], [sflag:$0x2] =	stream.linear.gather [hbm4b:s20+s4], $0x50, $0x38;
	[tilespmem:$0x16500] =	vst v63  }
0x2c: {  	_ =	swait.ge [sflag:s13], $0x50  }
0x2d: {  	[sflag:s13] =	ssyncset.done $0x0  }
0x2e: {  	[sflag:s13] =	ssyncadd.s32 $0xFFFFFFB0  }
0x2f: {  	[tilespmem:s16], [sflag:$0x1] =	stream.indirect.gather [hbm4b:s2+s15], $0x80, s4, s15, $0xb8;
	[tilespmem:$0x16500] =	vst v63  }
0x30: {  	_ =	swait.ge [sflag:s17], $0x2800  }
.Ltmp1:
0x31: {  	[sflag:s17] =	ssyncset.done $0x0;
	(pc) =	sbr.rel @p0 .LBB2_2-.Ltmp1, $4  }
0x32: {  	[sflag:s17] =	ssyncadd.s32 $0xFFFFD800  }
0x33: {  	[spmem:s3] =	stream.indirect.scatter.add.f32 [tilespmem:s16], [sflag:$0x2], $0x80, s14, s15, $0xb8;
	[tilespmem:$0x16500] =	vst v63  }
0x34: {  	_ =	swait.ge [sflag:s13], $0x2800  }
0x35: {  	[sflag:s13] =	ssyncset.done $0x0  }
.LBB2_3:
0x36: {  	s18 =	sadd.s32 $0x1, s18  }
0x37: {  	[sflag:s13] =	ssyncadd.s32 $0xFFFFD800;
	p0 =	sne.s32 s18, s9  }
.Ltmp2:
0x38: {  	[bflag:$0x0] =	sbarrier.arrive $0xFFFF;
	(pc) =	sbr.rel @p0 .LBB2_1-.Ltmp2, $4  }
0x39: {  	[hbm:s8], [sflag:s6] =	dma.local [spmem:s12], $0x2780  }
0x3a: {  	_ =	swait.ge [sflag:s13], $0x2780  }
0x3b: {  	[sflag:s13] =	ssyncset.done $0x0  }
0x3c: {  	[sflag:s13] =	ssyncadd.s32 $0xFFFFD880  }
0x3d: {  	_ =	sfence.sel $0x180000  }
0x3e: {  	[bflag:$0x0] =	sbarrier.arrive $0xFFFF  }
0x3f: {  	p0 =	sne.s32 s0, $0x0;
	_ =	strace $0x90000047  }
0x40: {  	s0 =	sadd.s32 @!p0 $0x100000, s1;
	[bflag:$0x2] =	sbarrier.arrive $0xFFFF  }
0x41: {  	[sflag:s0] =	ssyncadd.tile.s32 @!p0 $0x1;
	_ =	shalt  }
.Lfunc_end2:
_tile_overlayer_lowered:
.L_overlay_start_2:
0x42: {  	(tag) =	ssettag $0x2  }
0x43: {  	s0 =	rddreg [dreg:$0x0];
	s2 =	stileid.u32  }
0x44: {  	s1 =	rddreg [dreg:$0x1];
	p0 =	sne.s32 s2, $0x0  }
0x45: {  	s3 =	rddreg [dreg:$0x2];
	[bflag:$0x3] =	sbarrier.arrive $0xFFFF;
	s2 =	simm.s32 @!p0 $0x1C02  }
0x46: {  	[timem:s3], [sflag:s2] =	dma.local @!p0 [hbm:s0], s1  }
0x47: {  	s0 =	simm.s32 @!p0 $0x2  }
0x48: {  	_ =	swait.ge @!p0 [sflag:s0], s1  }
0x49: {  	s1 =	ssub.s32 @!p0 $0x0, s1;
	[sflag:s0] =	ssyncset.done @!p0 $0x0  }
0x4a: {  	[sflag:s0] =	ssyncadd.s32 @!p0 s1  }
0x4b: {  	[bflag:$0x3] =	sbarrier.arrive $0xFFFF  }
0x4c: {  	_ =	shalt  }

</sc_bundles>
